<compile_context>
chip_gen: v7x
topology: tpu7x:2x2x1
jax: 0.10.2.dev20260603
libtpu: 0.0.44.dev20260713+nightly
codegen_flags: <defaults>
</compile_context>

<pallas_src>
import jax
import jax.numpy as jnp
from jax import lax
from jax.experimental import pallas as pl
from jax.experimental.pallas import tpu as pltpu
from jax.experimental.pallas import tpu_sc as plsc

NC = 2
NS = 16
L = 16
NW = NC * NS
K = 500
KPAD = 512
ROWS_PER_W = 32
HW = 128 * 128
TOTW = ROWS_PER_W * KPAD
GCH = 128
NDMA = TOTW // GCH
CPD = GCH // L


def _sc_body(pred_hbm, packed_hbm, gt_hbm, out_hbm,
             idxf_v, m_v, ibuf, dbuf, gtbuf, out_v, gsem, ssem):
    cid = lax.axis_index("c")
    sid = lax.axis_index("s")
    wid = sid * NC + cid
    b = wid // 2
    c0 = (wid % 2) * ROWS_PER_W
    zf = jnp.zeros((L,), jnp.float32)

    pltpu.sync_copy(packed_hbm.at[b, 0], idxf_v)
    pltpu.sync_copy(packed_hbm.at[b, 1], m_v)
    gtc = pltpu.make_async_copy(gt_hbm.at[b, pl.ds(c0, ROWS_PER_W)], gtbuf,
                                ssem)
    gtc.start()

    base0 = (b * 64 + c0) * HW

    def build_row(j, _):
        base = base0 + j * HW
        o = j * KPAD

        def build(t, _):
            iv = idxf_v[pl.ds(t * L, L)].astype(jnp.int32)
            ibuf[pl.ds(o + t * L, L)] = iv + base
            return 0
        lax.fori_loop(0, KPAD // L, build, 0)

        def fire(r, _):
            pltpu.make_async_copy(
                pred_hbm.at[ibuf.at[pl.ds(o + r * GCH, GCH)]],
                dbuf.at[pl.ds(o + r * GCH, GCH)], gsem).start()
            return 0
        lax.fori_loop(0, KPAD // GCH, fire, 0)
        return 0
    lax.fori_loop(0, ROWS_PER_W, build_row, 0)

    gtc.wait()

    def drain(r, acc):
        pltpu.make_async_copy(
            pred_hbm.at[ibuf.at[pl.ds(0, GCH)]],
            dbuf.at[pl.ds(0, GCH)], gsem).wait()
        j = r // (KPAD // GCH)
        tbase = lax.rem(r, KPAD // GCH) * CPD

        def inner(t, a):
            tloc = tbase + t
            g = dbuf[pl.ds((r * CPD + t) * L, L)]
            m = m_v[pl.ds(tloc * L, L)]
            gv = lax.cond(
                tloc == KPAD // L - 1,
                lambda: plsc.load_gather(
                    gtbuf,
                    [jnp.full((L,), j, jnp.int32),
                     jnp.minimum(jax.lax.iota(jnp.int32, L) + (K - 4),
                                 K - 1)]),
                lambda: gtbuf[j, pl.ds(tloc * L, L)])
            return a + jnp.abs(g * m - gv * m)
        return lax.fori_loop(0, CPD, inner, acc)
    acc = lax.fori_loop(0, NDMA, drain, zf)

    def m_step(t, a):
        return a + m_v[pl.ds(t * L, L)]
    acc_m = lax.fori_loop(0, KPAD // L, m_step, zf) * float(ROWS_PER_W)

    out_v[pl.ds(0, L)] = acc
    out_v[pl.ds(L, L)] = acc_m
    pltpu.sync_copy(out_v, out_hbm.at[wid])


@jax.jit
def _run(pred_flat, packed, gt):
    mesh = plsc.VectorSubcoreMesh(core_axis_name="c", subcore_axis_name="s",
                                  num_cores=NC, num_subcores=NS)
    f = pl.kernel(
        _sc_body,
        out_type=jax.ShapeDtypeStruct((NW, 2 * L), jnp.float32),
        mesh=mesh,
        scratch_types=[
            pltpu.VMEM((KPAD,), jnp.float32),
            pltpu.VMEM((KPAD,), jnp.float32),
            pltpu.VMEM((TOTW,), jnp.int32),
            pltpu.VMEM((TOTW,), jnp.float32),
            pltpu.VMEM((ROWS_PER_W, K), jnp.float32),
            pltpu.VMEM((2 * L,), jnp.float32),
            pltpu.SemaphoreType.DMA,
            pltpu.SemaphoreType.DMA,
        ],
        compiler_params=pltpu.CompilerParams(needs_layout_passes=False),
    )
    out = f(pred_flat, packed, gt)
    return out[:, :L].sum() / (out[:, L:].sum() + 0.0001)


def kernel(pred, inds, ind_mask, gt):
    k = inds.shape[1]
    pad = KPAD - k
    indsf = inds.astype(jnp.float32)
    packed = jnp.pad(jnp.stack([indsf, ind_mask], axis=1),
                     ((0, 0), (0, 0), (0, pad)))
    return _run(pred.reshape(-1), packed, gt)

# --- scband reference (transcript-rebuilt; emitter-appended) ---
"""Pipeline reference for scband-l1-loss-with-ind-65927747994187 (READ-ONLY COPY).

The authoritative reference and input builder live on the scoring server;
editing this copy changes nothing except your own understanding.
"""

import jax, jax.numpy as jnp
import numpy as np


def setup_inputs(seed: int = 0) -> dict:
    key = jax.random.key(seed)
    k1, k2, k3, k4 = jax.random.split(key, 4)
    pred = jax.random.normal(k1, (16, 64, 128, 128), dtype=jnp.float32)
    inds = jax.random.randint(k2, (16, 500), 0, 16384, dtype=jnp.int64)
    ind_mask = jax.random.uniform(k3, (16, 500), dtype=jnp.float32)
    gt = jax.random.normal(k4, (16, 64, 500), dtype=jnp.float32)
    return {"pred": pred, "inds": inds, "ind_mask": ind_mask, "gt": gt}


def reference(pred, inds, ind_mask, gt):
    batch, c, h, w = pred.shape
    pred_flat = pred.reshape(batch, c, h * w)
    k = inds.shape[1]
    inds_e = jnp.broadcast_to(inds[:, None, :], (batch, c, k))
    mask_e = jnp.broadcast_to(ind_mask[:, None, :], (batch, c, k))
    pred_g = jnp.take_along_axis(pred_flat, inds_e, axis=2)
    loss = jnp.sum(jnp.abs(pred_g * mask_e - gt * mask_e))
    loss = loss / (jnp.sum(mask_e) + 0.0001)
    return loss

if __name__ == "__main__":
    import jax
    _d = setup_inputs()
    print(jax.jit(kernel)(*tuple(_d.values())))

</pallas_src>

<mosaic_0001>
#map = affine_map<(d0, d1) -> (0)>
#map1 = affine_map<(d0, d1) -> (0, 0, 0)>
#map2 = affine_map<(d0, d1) -> (0, 0)>
module attributes {stable_mosaic.version = 14 : i64} {
  func.func @_sc_body(%arg0: i32, %arg1: i32, %arg2: memref<16777216xf32, #tpu.memory_space<hbm>>, %arg3: memref<16x2x512xf32, #tpu.memory_space<hbm>>, %arg4: memref<16x64x500xf32, #tpu.memory_space<hbm>>, %arg5: memref<32x32xf32, #tpu.memory_space<hbm>>, %arg6: memref<512xf32, #tpu.memory_space<vmem>>, %arg7: memref<512xf32, #tpu.memory_space<vmem>>, %arg8: memref<16384xi32, #tpu.memory_space<vmem>>, %arg9: memref<16384xf32, #tpu.memory_space<vmem>>, %arg10: memref<32x500xf32, #tpu.memory_space<vmem>>, %arg11: memref<32xf32, #tpu.memory_space<vmem>>, %arg12: memref<!tpu.dma_semaphore, #tpu.memory_space<semaphore_mem>>, %arg13: memref<!tpu.dma_semaphore, #tpu.memory_space<semaphore_mem>>) attributes {dimension_semantics = [#tpu.dimension_semantics<core_parallel>, #tpu.dimension_semantics<subcore_parallel>], iteration_bounds = array<i64: 2, 16>, scalar_prefetch = 0 : i64, scratch_operands = 8 : i64, tpu.core_type = #tpu.core_type<sc_vector_subcore>, window_params = [{transform_indices = #map}, {transform_indices = #map1}, {transform_indices = #map1}, {transform_indices = #map2}]} {
    %mul3A = arith.constant 2 : i32
    %mul3A_0 = arith.muli %arg1, %mul3A : i32
    %add3A = arith.addi %mul3A_0, %arg0 : i32
    %jit3A = arith.constant 2 : i32
    %div3A = arith.divsi %add3A, %jit3A : i32
    %sign3A = arith.constant 0 : i32
    %sign3A_1 = arith.cmpi sgt, %add3A, %sign3A : i32
    %sign3A_2 = arith.extui %sign3A_1 : i1 to i32
    %sign3A_3 = arith.constant 0 : i32
    %sign3A_4 = arith.cmpi slt, %add3A, %sign3A_3 : i32
    %sign3A_5 = arith.extui %sign3A_4 : i1 to i32
    %sign3A_6 = arith.subi %sign3A_2, %sign3A_5 : i32
    %sign3A_7 = arith.constant 0 : i32
    %sign3A_8 = arith.cmpi sgt, %jit3A, %sign3A_7 : i32
    %sign3A_9 = arith.extui %sign3A_8 : i1 to i32
    %sign3A_10 = arith.constant 0 : i32
    %sign3A_11 = arith.cmpi slt, %jit3A, %sign3A_10 : i32
    %sign3A_12 = arith.extui %sign3A_11 : i1 to i32
    %sign3A_13 = arith.subi %sign3A_9, %sign3A_12 : i32
    %ne3A = arith.cmpi ne, %sign3A_6, %sign3A_13 : i32
    %rem3A = arith.remsi %add3A, %jit3A : i32
    %ne3A_14 = arith.constant 0 : i32
    %ne3A_15 = arith.cmpi ne, %rem3A, %ne3A_14 : i32
    %and3A = arith.andi %ne3A, %ne3A_15 : i1
    %sub3A = arith.constant 1 : i32
    %sub3A_16 = arith.subi %div3A, %sub3A : i32
    %select_n3A = arith.select %and3A, %sub3A_16, %div3A : i32
    %jit3A_17 = arith.constant 2 : i32
    %eq3A = arith.constant 0 : i32
    %eq3A_18 = arith.cmpi eq, %jit3A_17, %eq3A : i32
    %jit3A_19 = arith.constant 1 : i32
    %select_n3A_20 = arith.select %eq3A_18, %jit3A_19, %jit3A_17 : i32
    %rem3A_21 = arith.remsi %add3A, %select_n3A_20 : i32
    %ne3A_22 = arith.constant 0 : i32
    %ne3A_23 = arith.cmpi ne, %rem3A_21, %ne3A_22 : i32
    %lt3A = arith.constant 0 : i32
    %lt3A_24 = arith.cmpi slt, %rem3A_21, %lt3A : i32
    %lt3A_25 = arith.constant 0 : i32
    %lt3A_26 = arith.cmpi slt, %select_n3A_20, %lt3A_25 : i32
    %ne3A_27 = arith.xori %lt3A_24, %lt3A_26 : i1
    %and3A_28 = arith.andi %ne3A_27, %ne3A_23 : i1
    %add3A_29 = arith.addi %rem3A_21, %select_n3A_20 : i32
    %select_n3A_30 = arith.select %and3A_28, %add3A_29, %rem3A_21 : i32
    %mul3A_31 = arith.constant 32 : i32
    %mul3A_32 = arith.muli %select_n3A_30, %mul3A_31 : i32
    %broadcast_in_dim3A = arith.constant 0.000000e+00 : f32
    %broadcast_in_dim3A_33 = vector.broadcast %broadcast_in_dim3A : f32 to vector<16xf32>
    %run_scoped3A = arith.constant 0 : i32
    "tpu.region"() ({
      %run_scoped3A_74 = tpu.sem_alloc : memref<!tpu.dma_semaphore, #tpu.memory_space<semaphore_mem>>
      %dma_start3A_75 = arith.constant 0 : i32
      %dma_start3A_76 = tpu.memref_slice %arg3[%select_n3A, %run_scoped3A, %dma_start3A_75] : memref<16x2x512xf32, #tpu.memory_space<hbm>> -> memref<1x1x512xf32, #tpu.memory_space<hbm>>
      %dma_start3A_77 = tpu.memref_squeeze %dma_start3A_76 : memref<1x1x512xf32, #tpu.memory_space<hbm>> -> memref<512xf32, #tpu.memory_space<hbm>>
      %dma_start3A_78 = arith.constant 0 : i32
      %dma_start3A_79 = tpu.memref_slice %arg3[%select_n3A, %run_scoped3A, %dma_start3A_78] : memref<16x2x512xf32, #tpu.memory_space<hbm>> -> memref<1x1x512xf32, #tpu.memory_space<hbm>>
      %dma_start3A_80 = tpu.memref_squeeze %dma_start3A_79 : memref<1x1x512xf32, #tpu.memory_space<hbm>> -> memref<512xf32, #tpu.memory_space<hbm>>
      tpu.enqueue_dma source(%dma_start3A_80 : memref<512xf32, #tpu.memory_space<hbm>>) target(%arg6 : memref<512xf32, #tpu.memory_space<vmem>>) target_semaphore(%run_scoped3A_74 : memref<!tpu.dma_semaphore, #tpu.memory_space<semaphore_mem>>)
      %dma_wait3A_81 = arith.constant 0 : i32
      %dma_wait3A_82 = tpu.memref_slice %arg3[%select_n3A, %run_scoped3A, %dma_wait3A_81] : memref<16x2x512xf32, #tpu.memory_space<hbm>> -> memref<1x1x512xf32, #tpu.memory_space<hbm>>
      %dma_wait3A_83 = tpu.memref_squeeze %dma_wait3A_82 : memref<1x1x512xf32, #tpu.memory_space<hbm>> -> memref<512xf32, #tpu.memory_space<hbm>>
      %dma_wait3A_84 = arith.constant 0 : i32
      %dma_wait3A_85 = tpu.memref_slice %arg3[%select_n3A, %run_scoped3A, %dma_wait3A_84] : memref<16x2x512xf32, #tpu.memory_space<hbm>> -> memref<1x1x512xf32, #tpu.memory_space<hbm>>
      %dma_wait3A_86 = tpu.memref_squeeze %dma_wait3A_85 : memref<1x1x512xf32, #tpu.memory_space<hbm>> -> memref<512xf32, #tpu.memory_space<hbm>>
      tpu.wait_dma2 semaphore(%run_scoped3A_74 : memref<!tpu.dma_semaphore, #tpu.memory_space<semaphore_mem>>) src(%dma_wait3A_86 : memref<512xf32, #tpu.memory_space<hbm>>) dst(%arg6 : memref<512xf32, #tpu.memory_space<vmem>>)
      tpu.yield
    }) : () -> ()
    %run_scoped3A_34 = arith.constant 1 : i32
    "tpu.region"() ({
      %run_scoped3A_74 = tpu.sem_alloc : memref<!tpu.dma_semaphore, #tpu.memory_space<semaphore_mem>>
      %dma_start3A_75 = arith.constant 0 : i32
      %dma_start3A_76 = tpu.memref_slice %arg3[%select_n3A, %run_scoped3A_34, %dma_start3A_75] : memref<16x2x512xf32, #tpu.memory_space<hbm>> -> memref<1x1x512xf32, #tpu.memory_space<hbm>>
      %dma_start3A_77 = tpu.memref_squeeze %dma_start3A_76 : memref<1x1x512xf32, #tpu.memory_space<hbm>> -> memref<512xf32, #tpu.memory_space<hbm>>
      %dma_start3A_78 = arith.constant 0 : i32
      %dma_start3A_79 = tpu.memref_slice %arg3[%select_n3A, %run_scoped3A_34, %dma_start3A_78] : memref<16x2x512xf32, #tpu.memory_space<hbm>> -> memref<1x1x512xf32, #tpu.memory_space<hbm>>
      %dma_start3A_80 = tpu.memref_squeeze %dma_start3A_79 : memref<1x1x512xf32, #tpu.memory_space<hbm>> -> memref<512xf32, #tpu.memory_space<hbm>>
      tpu.enqueue_dma source(%dma_start3A_80 : memref<512xf32, #tpu.memory_space<hbm>>) target(%arg7 : memref<512xf32, #tpu.memory_space<vmem>>) target_semaphore(%run_scoped3A_74 : memref<!tpu.dma_semaphore, #tpu.memory_space<semaphore_mem>>)
      %dma_wait3A_81 = arith.constant 0 : i32
      %dma_wait3A_82 = tpu.memref_slice %arg3[%select_n3A, %run_scoped3A_34, %dma_wait3A_81] : memref<16x2x512xf32, #tpu.memory_space<hbm>> -> memref<1x1x512xf32, #tpu.memory_space<hbm>>
      %dma_wait3A_83 = tpu.memref_squeeze %dma_wait3A_82 : memref<1x1x512xf32, #tpu.memory_space<hbm>> -> memref<512xf32, #tpu.memory_space<hbm>>
      %dma_wait3A_84 = arith.constant 0 : i32
      %dma_wait3A_85 = tpu.memref_slice %arg3[%select_n3A, %run_scoped3A_34, %dma_wait3A_84] : memref<16x2x512xf32, #tpu.memory_space<hbm>> -> memref<1x1x512xf32, #tpu.memory_space<hbm>>
      %dma_wait3A_86 = tpu.memref_squeeze %dma_wait3A_85 : memref<1x1x512xf32, #tpu.memory_space<hbm>> -> memref<512xf32, #tpu.memory_space<hbm>>
      tpu.wait_dma2 semaphore(%run_scoped3A_74 : memref<!tpu.dma_semaphore, #tpu.memory_space<semaphore_mem>>) src(%dma_wait3A_86 : memref<512xf32, #tpu.memory_space<hbm>>) dst(%arg7 : memref<512xf32, #tpu.memory_space<vmem>>)
      tpu.yield
    }) : () -> ()
    %dma_start3A = arith.constant 0 : i32
    %dma_start3A_35 = tpu.memref_slice %arg4[%select_n3A, %mul3A_32, %dma_start3A] : memref<16x64x500xf32, #tpu.memory_space<hbm>> -> memref<1x32x500xf32, #tpu.memory_space<hbm>>
    %dma_start3A_36 = tpu.memref_squeeze %dma_start3A_35 : memref<1x32x500xf32, #tpu.memory_space<hbm>> -> memref<32x500xf32, #tpu.memory_space<hbm>>
    %dma_start3A_37 = arith.constant 0 : i32
    %dma_start3A_38 = tpu.memref_slice %arg4[%select_n3A, %mul3A_32, %dma_start3A_37] : memref<16x64x500xf32, #tpu.memory_space<hbm>> -> memref<1x32x500xf32, #tpu.memory_space<hbm>>
    %dma_start3A_39 = tpu.memref_squeeze %dma_start3A_38 : memref<1x32x500xf32, #tpu.memory_space<hbm>> -> memref<32x500xf32, #tpu.memory_space<hbm>>
    tpu.enqueue_dma source(%dma_start3A_39 : memref<32x500xf32, #tpu.memory_space<hbm>>) target(%arg10 : memref<32x500xf32, #tpu.memory_space<vmem>>) target_semaphore(%arg13 : memref<!tpu.dma_semaphore, #tpu.memory_space<semaphore_mem>>)
    %mul3A_40 = arith.constant 64 : i32
    %mul3A_41 = arith.muli %select_n3A, %mul3A_40 : i32
    %add3A_42 = arith.addi %mul3A_41, %mul3A_32 : i32
    %mul3A_43 = arith.constant 16384 : i32
    %mul3A_44 = arith.muli %add3A_42, %mul3A_43 : i32
    %scan3A = arith.constant 0 : i32
    %scan3A_45 = arith.constant 0 : i32
    %scan3A_46 = arith.constant 32 : i32
    %scan3A_47 = arith.addi %scan3A_45, %scan3A_46 : i32
    %scan3A_48 = arith.constant 1 : i32
    %scan3A_49 = scf.for %scan3A_74 = %scan3A_45 to %scan3A_47 step %scan3A_48 iter_args(%scan3A_75 = %scan3A) -> (i32)  : i32 {
      %mul3A_76 = arith.constant 16384 : i32
      %mul3A_77 = arith.muli %scan3A_74, %mul3A_76 : i32
      %add3A_78 = arith.addi %mul3A_44, %mul3A_77 : i32
      %mul3A_79 = arith.constant 512 : i32
      %mul3A_80 = arith.muli %scan3A_74, %mul3A_79 : i32
      %scan3A_81 = arith.constant 0 : i32
      %scan3A_82 = arith.constant 0 : i32
      %scan3A_83 = arith.constant 32 : i32
      %scan3A_84 = arith.addi %scan3A_82, %scan3A_83 : i32
      %scan3A_85 = arith.constant 1 : i32
      %scan3A_86 = scf.for %scan3A_96 = %scan3A_82 to %scan3A_84 step %scan3A_85 iter_args(%scan3A_97 = %scan3A_81) -> (i32)  : i32 {
        %mul3A_98 = arith.constant 16 : i32
        %mul3A_99 = arith.muli %scan3A_96, %mul3A_98 : i32
        %get3A = arith.index_cast %mul3A_99 : i32 to index
        %get3A_100 = tpu.vector_load %arg6[%get3A] {strides = array<i32>} : memref<512xf32, #tpu.memory_space<vmem>>, vector<16xf32>,
        %convert_element_type3A = arith.fptosi %get3A_100 : vector<16xf32> to vector<16xi32>
        %add3A_101 = vector.broadcast %add3A_78 : i32 to vector<16xi32>
        %add3A_102 = arith.addi %convert_element_type3A, %add3A_101 : vector<16xi32>
        %mul3A_103 = arith.constant 16 : i32
        %mul3A_104 = arith.muli %scan3A_96, %mul3A_103 : i32
        %add3A_105 = arith.addi %mul3A_80, %mul3A_104 : i32
        %swap3A_106 = arith.index_cast %add3A_105 : i32 to index
        %swap3A_107 = tpu.vector_load %arg8[%swap3A_106] {strides = array<i32>} : memref<16384xi32, #tpu.memory_space<vmem>>, vector<16xi32>,
        tpu.vector_store %arg8[%swap3A_106], %add3A_102 {strides = array<i32>} : memref<16384xi32, #tpu.memory_space<vmem>>, vector<16xi32>,
        %scan3A_108 = arith.constant 0 : i32
        scf.yield %scan3A_108 : i32
      }
      %scan3A_87 = arith.constant 32 : i32
      %scan3A_88 = arith.constant 0 : i32
      %scan3A_89 = arith.constant 0 : i32
      %scan3A_90 = arith.constant 4 : i32
      %scan3A_91 = arith.addi %scan3A_89, %scan3A_90 : i32
      %scan3A_92 = arith.constant 1 : i32
      %scan3A_93 = scf.for %scan3A_96 = %scan3A_89 to %scan3A_91 step %scan3A_92 iter_args(%scan3A_97 = %scan3A_88) -> (i32)  : i32 {
        %mul3A_98 = arith.constant 128 : i32
        %mul3A_99 = arith.muli %scan3A_96, %mul3A_98 : i32
        %add3A_100 = arith.addi %mul3A_80, %mul3A_99 : i32
        %mul3A_101 = arith.constant 128 : i32
        %mul3A_102 = arith.muli %scan3A_96, %mul3A_101 : i32
        %add3A_103 = arith.addi %mul3A_80, %mul3A_102 : i32
        %dma_start3A_104 = tpu.memref_slice %arg9[%add3A_103] : memref<16384xf32, #tpu.memory_space<vmem>> -> memref<128xf32, #tpu.memory_space<vmem>>
        %dma_start3A_105 = tpu.memref_slice %arg8[%add3A_100] : memref<16384xi32, #tpu.memory_space<vmem>> -> memref<128xi32, #tpu.memory_space<vmem>>
        %dma_start3A_106 = arith.constant 0 : i32
        %dma_start3A_107 = tpu.memref_slice %arg2[%dma_start3A_106] : memref<16777216xf32, #tpu.memory_space<hbm>> -> memref<16777216xf32, #tpu.memory_space<hbm>>
        tpu.enqueue_indirect_dma source(%dma_start3A_107 : memref<16777216xf32, #tpu.memory_space<hbm>>) target(%dma_start3A_104 : memref<128xf32, #tpu.memory_space<vmem>>) offsets(%dma_start3A_105 : memref<128xi32, #tpu.memory_space<vmem>>) semaphore(%arg12 : memref<!tpu.dma_semaphore, #tpu.memory_space<semaphore_mem>>)
        %scan3A_108 = arith.constant 0 : i32
        scf.yield %scan3A_108 : i32
      }
      %scan3A_94 = arith.constant 4 : i32
      %scan3A_95 = arith.constant 0 : i32
      scf.yield %scan3A_95 : i32
    }
    %scan3A_50 = arith.constant 32 : i32
    %dma_wait3A = arith.constant 0 : i32
    %dma_wait3A_51 = tpu.memref_slice %arg4[%select_n3A, %mul3A_32, %dma_wait3A] : memref<16x64x500xf32, #tpu.memory_space<hbm>> -> memref<1x32x500xf32, #tpu.memory_space<hbm>>
    %dma_wait3A_52 = tpu.memref_squeeze %dma_wait3A_51 : memref<1x32x500xf32, #tpu.memory_space<hbm>> -> memref<32x500xf32, #tpu.memory_space<hbm>>
    %dma_wait3A_53 = arith.constant 0 : i32
    %dma_wait3A_54 = tpu.memref_slice %arg4[%select_n3A, %mul3A_32, %dma_wait3A_53] : memref<16x64x500xf32, #tpu.memory_space<hbm>> -> memref<1x32x500xf32, #tpu.memory_space<hbm>>
    %dma_wait3A_55 = tpu.memref_squeeze %dma_wait3A_54 : memref<1x32x500xf32, #tpu.memory_space<hbm>> -> memref<32x500xf32, #tpu.memory_space<hbm>>
    tpu.wait_dma2 semaphore(%arg13 : memref<!tpu.dma_semaphore, #tpu.memory_space<semaphore_mem>>) src(%dma_wait3A_55 : memref<32x500xf32, #tpu.memory_space<hbm>>) dst(%arg10 : memref<32x500xf32, #tpu.memory_space<vmem>>)
    %scan3A_56 = arith.constant 0 : i32
    %scan3A_57 = arith.constant 128 : i32
    %scan3A_58 = arith.addi %scan3A_56, %scan3A_57 : i32
    %scan3A_59 = arith.constant 1 : i32
    %scan3A_60 = scf.for %scan3A_74 = %scan3A_56 to %scan3A_58 step %scan3A_59 iter_args(%scan3A_75 = %broadcast_in_dim3A_33) -> (vector<16xf32>)  : i32 {
      %dma_wait3A_76 = arith.constant 0 : i32
      %dma_wait3A_77 = tpu.memref_slice %arg9[%dma_wait3A_76] : memref<16384xf32, #tpu.memory_space<vmem>> -> memref<128xf32, #tpu.memory_space<vmem>>
      %dma_wait3A_78 = arith.constant 0 : i32
      %dma_wait3A_79 = tpu.memref_slice %arg8[%dma_wait3A_78] : memref<16384xi32, #tpu.memory_space<vmem>> -> memref<128xi32, #tpu.memory_space<vmem>>
      %dma_wait3A_80 = arith.constant 0 : i32
      %dma_wait3A_81 = tpu.memref_slice %arg2[%dma_wait3A_80] : memref<16777216xf32, #tpu.memory_space<hbm>> -> memref<16777216xf32, #tpu.memory_space<hbm>>
      tpu.wait_indirect_dma semaphore(%arg12 : memref<!tpu.dma_semaphore, #tpu.memory_space<semaphore_mem>>) src(%dma_wait3A_81 : memref<16777216xf32, #tpu.memory_space<hbm>>) dst(%dma_wait3A_77 : memref<128xf32, #tpu.memory_space<vmem>>)
      %jit3A_82 = arith.constant 4 : i32
      %div3A_83 = arith.divsi %scan3A_74, %jit3A_82 : i32
      %sign3A_84 = arith.constant 0 : i32
      %sign3A_85 = arith.cmpi sgt, %scan3A_74, %sign3A_84 : i32
      %sign3A_86 = arith.extui %sign3A_85 : i1 to i32
      %sign3A_87 = arith.constant 0 : i32
      %sign3A_88 = arith.cmpi slt, %scan3A_74, %sign3A_87 : i32
      %sign3A_89 = arith.extui %sign3A_88 : i1 to i32
      %sign3A_90 = arith.subi %sign3A_86, %sign3A_89 : i32
      %sign3A_91 = arith.constant 0 : i32
      %sign3A_92 = arith.cmpi sgt, %jit3A_82, %sign3A_91 : i32
      %sign3A_93 = arith.extui %sign3A_92 : i1 to i32
      %sign3A_94 = arith.constant 0 : i32
      %sign3A_95 = arith.cmpi slt, %jit3A_82, %sign3A_94 : i32
      %sign3A_96 = arith.extui %sign3A_95 : i1 to i32
      %sign3A_97 = arith.subi %sign3A_93, %sign3A_96 : i32
      %ne3A_98 = arith.cmpi ne, %sign3A_90, %sign3A_97 : i32
      %rem3A_99 = arith.remsi %scan3A_74, %jit3A_82 : i32
      %ne3A_100 = arith.constant 0 : i32
      %ne3A_101 = arith.cmpi ne, %rem3A_99, %ne3A_100 : i32
      %and3A_102 = arith.andi %ne3A_98, %ne3A_101 : i1
      %sub3A_103 = arith.constant 1 : i32
      %sub3A_104 = arith.subi %div3A_83, %sub3A_103 : i32
      %select_n3A_105 = arith.select %and3A_102, %sub3A_104, %div3A_83 : i32
      %rem3A_106 = arith.constant 4 : i32
      %rem3A_107 = arith.remsi %scan3A_74, %rem3A_106 : i32
      %mul3A_108 = arith.constant 8 : i32
      %mul3A_109 = arith.muli %rem3A_107, %mul3A_108 : i32
      %scan3A_110 = arith.constant 0 : i32
      %scan3A_111 = arith.constant 8 : i32
      %scan3A_112 = arith.addi %scan3A_110, %scan3A_111 : i32
      %scan3A_113 = arith.constant 1 : i32
      %scan3A_114 = scf.for %scan3A_116 = %scan3A_110 to %scan3A_112 step %scan3A_113 iter_args(%scan3A_117 = %scan3A_75) -> (vector<16xf32>)  : i32 {
        %add3A_118 = arith.addi %mul3A_109, %scan3A_116 : i32
        %mul3A_119 = arith.constant 8 : i32
        %mul3A_120 = arith.muli %scan3A_74, %mul3A_119 : i32
        %add3A_121 = arith.addi %mul3A_120, %scan3A_116 : i32
        %mul3A_122 = arith.constant 16 : i32
        %mul3A_123 = arith.muli %add3A_121, %mul3A_122 : i32
        %get3A = arith.index_cast %mul3A_123 : i32 to index
        %get3A_124 = tpu.vector_load %arg9[%get3A] {strides = array<i32>} : memref<16384xf32, #tpu.memory_space<vmem>>, vector<16xf32>,
        %mul3A_125 = arith.constant 16 : i32
        %mul3A_126 = arith.muli %add3A_118, %mul3A_125 : i32
        %get3A_127 = arith.index_cast %mul3A_126 : i32 to index
        %get3A_128 = tpu.vector_load %arg7[%get3A_127] {strides = array<i32>} : memref<512xf32, #tpu.memory_space<vmem>>, vector<16xf32>,
        %eq3A_129 = arith.constant 31 : i32
        %eq3A_130 = arith.cmpi eq, %add3A_118, %eq3A_129 : i32
        %convert_element_type3A = arith.extui %eq3A_130 : i1 to i32
        %cond3A = arith.constant 0 : i32
        %cond3A_131 = arith.cmpi ne, %convert_element_type3A, %cond3A : i32
        %cond3A_132 = scf.if %cond3A_131 -> (vector<16xf32>) {
          %broadcast_in_dim3A_137 = vector.broadcast %select_n3A_105 : i32 to vector<16xi32>
          %iota3A = tpu.iota {dimensions = array<i32: 0>} : vector<16xi32>
          %add3A_138 = arith.constant 496 : i32
          %add3A_139 = vector.broadcast %add3A_138 : i32 to vector<16xi32>
          %add3A_140 = arith.addi %iota3A, %add3A_139 : vector<16xi32>
          %min3A = arith.constant 499 : i32
          %min3A_141 = vector.broadcast %min3A : i32 to vector<16xi32>
          %min3A_142 = arith.minsi %add3A_140, %min3A_141 : vector<16xi32>
          %gather3A = tpu.vector_load_idx %arg10[%broadcast_in_dim3A_137, %min3A_142] : memref<32x500xf32, #tpu.memory_space<vmem>>[vector<16xi32>, vector<16xi32>], vector<16xf32>,
          scf.yield %gather3A : vector<16xf32>
        } else {
          %mul3A_137 = arith.constant 16 : i32
          %mul3A_138 = arith.muli %add3A_118, %mul3A_137 : i32
          %get3A_139 = arith.index_cast %select_n3A_105 : i32 to index
          %get3A_140 = arith.index_cast %mul3A_138 : i32 to index
          %get3A_141 = tpu.vector_load %arg10[%get3A_139, %get3A_140] {strides = array<i32>} : memref<32x500xf32, #tpu.memory_space<vmem>>, vector<16xf32>,
          scf.yield %get3A_141 : vector<16xf32>
        }
        %mul3A_133 = arith.mulf %get3A_124, %get3A_128 : vector<16xf32>
        %mul3A_134 = arith.mulf %cond3A_132, %get3A_128 : vector<16xf32>
        %sub3A_135 = arith.subf %mul3A_133, %mul3A_134 : vector<16xf32>
        %abs3A = math.absf %sub3A_135 : vector<16xf32>
        %add3A_136 = arith.addf %scan3A_117, %abs3A : vector<16xf32>
        scf.yield %add3A_136 : vector<16xf32>
      }
      %scan3A_115 = arith.constant 8 : i32
      scf.yield %scan3A_114 : vector<16xf32>
    }
    %scan3A_61 = arith.constant 128 : i32
    %scan3A_62 = arith.constant 0 : i32
    %scan3A_63 = arith.constant 32 : i32
    %scan3A_64 = arith.addi %scan3A_62, %scan3A_63 : i32
    %scan3A_65 = arith.constant 1 : i32
    %scan3A_66 = scf.for %scan3A_74 = %scan3A_62 to %scan3A_64 step %scan3A_65 iter_args(%scan3A_75 = %broadcast_in_dim3A_33) -> (vector<16xf32>)  : i32 {
      %mul3A_76 = arith.constant 16 : i32
      %mul3A_77 = arith.muli %scan3A_74, %mul3A_76 : i32
      %get3A = arith.index_cast %mul3A_77 : i32 to index
      %get3A_78 = tpu.vector_load %arg7[%get3A] {strides = array<i32>} : memref<512xf32, #tpu.memory_space<vmem>>, vector<16xf32>,
      %add3A_79 = arith.addf %scan3A_75, %get3A_78 : vector<16xf32>
      scf.yield %add3A_79 : vector<16xf32>
    }
    %scan3A_67 = arith.constant 32 : i32
    %mul3A_68 = arith.constant 3.200000e+01 : f32
    %mul3A_69 = vector.broadcast %mul3A_68 : f32 to vector<16xf32>
    %mul3A_70 = arith.mulf %scan3A_66, %mul3A_69 : vector<16xf32>
    %swap3A = arith.constant 0 : index
    %swap3A_71 = tpu.vector_load %arg11[%swap3A] {strides = array<i32>} : memref<32xf32, #tpu.memory_space<vmem>>, vector<16xf32>,
    tpu.vector_store %arg11[%swap3A], %scan3A_60 {strides = array<i32>} : memref<32xf32, #tpu.memory_space<vmem>>, vector<16xf32>,
    %swap3A_72 = arith.constant 16 : index
    %swap3A_73 = tpu.vector_load %arg11[%swap3A_72] {strides = array<i32>} : memref<32xf32, #tpu.memory_space<vmem>>, vector<16xf32>,
    tpu.vector_store %arg11[%swap3A_72], %mul3A_70 {strides = array<i32>} : memref<32xf32, #tpu.memory_space<vmem>>, vector<16xf32>,
    "tpu.region"() ({
      %run_scoped3A_74 = tpu.sem_alloc : memref<!tpu.dma_semaphore, #tpu.memory_space<semaphore_mem>>
      %dma_start3A_75 = arith.constant 0 : i32
      %dma_start3A_76 = tpu.memref_slice %arg5[%add3A, %dma_start3A_75] : memref<32x32xf32, #tpu.memory_space<hbm>> -> memref<1x32xf32, #tpu.memory_space<hbm>>
      %dma_start3A_77 = tpu.memref_squeeze %dma_start3A_76 : memref<1x32xf32, #tpu.memory_space<hbm>> -> memref<32xf32, #tpu.memory_space<hbm>>
      %dma_start3A_78 = arith.constant 0 : i32
      %dma_start3A_79 = tpu.memref_slice %arg5[%add3A, %dma_start3A_78] : memref<32x32xf32, #tpu.memory_space<hbm>> -> memref<1x32xf32, #tpu.memory_space<hbm>>
      %dma_start3A_80 = tpu.memref_squeeze %dma_start3A_79 : memref<1x32xf32, #tpu.memory_space<hbm>> -> memref<32xf32, #tpu.memory_space<hbm>>
      tpu.enqueue_dma source(%arg11 : memref<32xf32, #tpu.memory_space<vmem>>) target(%dma_start3A_80 : memref<32xf32, #tpu.memory_space<hbm>>) target_semaphore(%run_scoped3A_74 : memref<!tpu.dma_semaphore, #tpu.memory_space<semaphore_mem>>)
      %dma_wait3A_81 = arith.constant 0 : i32
      %dma_wait3A_82 = tpu.memref_slice %arg5[%add3A, %dma_wait3A_81] : memref<32x32xf32, #tpu.memory_space<hbm>> -> memref<1x32xf32, #tpu.memory_space<hbm>>
      %dma_wait3A_83 = tpu.memref_squeeze %dma_wait3A_82 : memref<1x32xf32, #tpu.memory_space<hbm>> -> memref<32xf32, #tpu.memory_space<hbm>>
      %dma_wait3A_84 = arith.constant 0 : i32
      %dma_wait3A_85 = tpu.memref_slice %arg5[%add3A, %dma_wait3A_84] : memref<32x32xf32, #tpu.memory_space<hbm>> -> memref<1x32xf32, #tpu.memory_space<hbm>>
      %dma_wait3A_86 = tpu.memref_squeeze %dma_wait3A_85 : memref<1x32xf32, #tpu.memory_space<hbm>> -> memref<32xf32, #tpu.memory_space<hbm>>
      tpu.wait_dma2 semaphore(%run_scoped3A_74 : memref<!tpu.dma_semaphore, #tpu.memory_space<semaphore_mem>>) src(%arg11 : memref<32xf32, #tpu.memory_space<vmem>>) dst(%dma_wait3A_86 : memref<32xf32, #tpu.memory_space<hbm>>)
      tpu.yield
    }) : () -> ()
    return
  }
}

</mosaic_0001>

<sc_bundles>
// kernel: _run.3.cloned.1.call-start
scs
__scs_entry_jumppad:
0x0: {  	(pc) =	sbr.rel $0x88, $3  }
0x1: {  	(tag) =	ssettag $0x0;
	lr =	simm.s32 $0x1  }
0x2: {  	[smem:$0x3F9E] =	sst lr;
	_ =	strace $0xD0000000  }
0x3: {  	_ = 	snop  }
0x4: {  	_ = 	snop  }
0x5: {  	_ = 	snop  }
0x6: {  	_ = 	snop  }
0x7: {  	_ = 	snop  }
__scs_overlays_trampoline_lowered:
0x8: {  	[smem:$0x3FAD] =	sst s0  }
0x9: {  	[smem:$0x3FAE] =	sst s1  }
0xa: {  	[smem:$0x3FAF] =	sst s2  }
0xb: {  	[smem:$0x3FB0] =	sst s3  }
0xc: {  	[smem:$0x3FB1] =	sst s4  }
0xd: {  	[smem:$0x3FB2] =	sst s5  }
0xe: {  	[smem:$0x3FB3] =	sst s6  }
0xf: {  	[smem:$0x3FB4] =	sst s7  }
0x10: {  	[smem:$0x3FB5] =	sst s8  }
0x11: {  	[smem:$0x3FB6] =	sst s9;
	s0 =	simm.s32 @!p0 $0x0  }
0x12: {  	s1 =	sld [smem:$0x3F9C];
	s0 =	simm.s32 @p0 $0x1  }
0x13: {  	[smem:$0x3FB7] =	sst s0;
	s0 =	simm.s32 @!p1 $0x0  }
0x14: {  	s2 =	sld [smem:$0x3F9B];
	s0 =	simm.s32 @p1 $0x1  }
0x15: {  	[smem:$0x3FB8] =	sst s0;
	s0 =	simm.s32 @!p2 $0x0  }
0x16: {  	s3 =	sld [smem:$0x3FDB];
	s0 =	simm.s32 @p2 $0x1  }
0x17: {  	s4 =	simm.s32 $0x1BF5;
	[smem:$0x3FBA] =	sst s0  }
0x18: {  	s0 =	sld [smem:$0x3F9D];
	_ =	swait.ge [sflag:s4], $0x0  }
0x19: {  	s7 =	sld [smem:$0x3F9E]  }
0x1a: {  	s8 =	sadd.s32 $0xFFFFE003, lr  }
0x1b: {  	s9 =	sadd.s32 $0xFFFFFEF7, lr;
	s5 =	simm.s32 $0xFFFFFFFF;
	p2 =	slt.u32 s8, $0xFFFFF086  }
0x1c: {  	p1 =	slt.u32 s9, $0xF7A;
	s5 =	simm.s32 @!p2 $0x0  }
0x1d: {  	s5 =	simm.s32 @p1 $0x1;
	p0 =	seq.s32 s7, s2  }
0x1e: {  	s7 =	smul.u32 @!p0 $0xF7A, s2;
	p2 =	seq.s32 @!p0 s5, $0x0  }
0x1f: {  	s9 =	smul.u32 $0xF7A, s1;
	s8 =	simm.s32 @!p0 $0x1BF5;
	p2 =	por !p2, p0  }
0x20: {  	[sflag:s8] =	ssyncset.s32 @!p0 $0xFFFFF086;
	s6 =	sadd.s32 @!p0 s3, s7;
	s7 =	simm.s32 @!p0 $0x108  }
0x21: {  	s3 =	sadd.s32 s3, s9;
	s6 =	sadd.s32 @!p0 $0x88, s6;
	s7 =	simm.s32 @p2 $0x1082  }
0x22: {  	[simem:s7], [sflag:s8] =	dma.local @!p0 [hbm:s6], $0xF7A  }
0x23: {  	s9 =	sor.u32 $0xD0000000, s2;
	s6 =	simm.s32 $0x108;
	_ =	swait.ge @!p0 [sflag:s8], $0x0  }
0x24: {  	s3 =	sadd.s32 $0x88, s3;
	s6 =	simm.s32 @!p1 $0x1082;
	[sflag:s4] =	ssyncset.s32 $0xFFFFF086  }
0x25: {  	[simem:s6], [sflag:s4] =	dma.local [hbm:s3], $0xF7A  }
0x26: {  	[smem:$0x3F9E] =	sst s1;
	(tag) =	ssettag s2;
	_ =	strace s9  }
0x27: {  	s1 =	sld [smem:$0x3FAE]  }
0x28: {  	s2 =	sld [smem:$0x3FAF]  }
0x29: {  	s4 =	sld [smem:$0x3FB1]  }
0x2a: {  	p0 =	seq.s32 s5, $0x0;
	s5 =	sld [smem:$0x3FB2]  }
0x2b: {  	s6 =	sld [smem:$0x3FB3]  }
0x2c: {  	s7 =	sld [smem:$0x3FB4]  }
0x2d: {  	s3 =	simm.s32 $0x108;
	s8 =	sld [smem:$0x3FB5]  }
0x2e: {  	s3 =	simm.s32 @!p0 $0x1082;
	s9 =	sld [smem:$0x3FB6]  }
0x2f: {  	lr =	sadd.s32 s0, s3;
	s0 =	sld [smem:$0x3FAD]  }
0x30: {  	s3 =	sld [smem:$0x3FB0]  }
0x31: {  	[smem:$0x3FB9] =	sst s10  }
0x32: {  	s10 =	sld [smem:$0x3FB7];
	_ =	sdelay $0x3  }
0x33: {  	p0 =	seq.s32 s10, $0x1;
	s10 =	sld [smem:$0x3FB9];
	_ =	sdelay $0x3  }
0x34: {  	[smem:$0x3FB9] =	sst s10  }
0x35: {  	s10 =	sld [smem:$0x3FB8];
	_ =	sdelay $0x3  }
0x36: {  	p1 =	seq.s32 s10, $0x1;
	s10 =	sld [smem:$0x3FB9];
	_ =	sdelay $0x3  }
0x37: {  	[smem:$0x3FB9] =	sst s10  }
0x38: {  	s10 =	sld [smem:$0x3FBA]  }
0x39: {  	_ = 	snop;
	(pc) =	sbr.ind lr, $3  }
0x3a: {  	_ = 	snop  }
0x3b: {  	_ = 	snop  }
0x3c: {  	p2 =	seq.s32 s10, $0x1;
	s10 =	sld [smem:$0x3FB9]  }
0x3d: {  	_ =	shalt  }
0x3e: {  	_ =	shalt  }
0x3f: {  	_ =	shalt  }
0x40: {  	_ =	shalt  }
0x41: {  	_ =	shalt  }
0x42: {  	_ =	shalt  }
0x43: {  	_ =	shalt  }
0x44: {  	_ =	shalt  }
0x45: {  	_ =	shalt  }
0x46: {  	_ =	shalt  }
0x47: {  	_ =	shalt  }
0x48: {  	_ =	shalt  }
0x49: {  	_ =	shalt  }
0x4a: {  	_ =	shalt  }
0x4b: {  	_ =	shalt  }
0x4c: {  	_ =	shalt  }
0x4d: {  	_ =	shalt  }
0x4e: {  	_ =	shalt  }
0x4f: {  	_ =	shalt  }
0x50: {  	_ =	shalt  }
0x51: {  	_ =	shalt  }
0x52: {  	_ =	shalt  }
0x53: {  	_ =	shalt  }
0x54: {  	_ =	shalt  }
0x55: {  	_ =	shalt  }
0x56: {  	_ =	shalt  }
0x57: {  	_ =	shalt  }
0x58: {  	_ =	shalt  }
0x59: {  	_ =	shalt  }
0x5a: {  	_ =	shalt  }
0x5b: {  	_ =	shalt  }
0x5c: {  	_ =	shalt  }
0x5d: {  	_ =	shalt  }
0x5e: {  	_ =	shalt  }
0x5f: {  	_ =	shalt  }
0x60: {  	_ =	shalt  }
0x61: {  	_ =	shalt  }
0x62: {  	_ =	shalt  }
0x63: {  	_ =	shalt  }
0x64: {  	_ =	shalt  }
0x65: {  	_ =	shalt  }
0x66: {  	_ =	shalt  }
0x67: {  	_ =	shalt  }
0x68: {  	_ =	shalt  }
0x69: {  	_ =	shalt  }
0x6a: {  	_ =	shalt  }
0x6b: {  	_ =	shalt  }
0x6c: {  	_ =	shalt  }
0x6d: {  	_ =	shalt  }
0x6e: {  	_ =	shalt  }
0x6f: {  	_ =	shalt  }
0x70: {  	_ =	shalt  }
0x71: {  	_ =	shalt  }
0x72: {  	_ =	shalt  }
0x73: {  	_ =	shalt  }
0x74: {  	_ =	shalt  }
0x75: {  	_ =	shalt  }
0x76: {  	_ =	shalt  }
0x77: {  	_ =	shalt  }
0x78: {  	_ =	shalt  }
0x79: {  	_ =	shalt  }
0x7a: {  	_ =	shalt  }
0x7b: {  	_ =	shalt  }
0x7c: {  	_ =	shalt  }
0x7d: {  	_ =	shalt  }
0x7e: {  	_ =	shalt  }
0x7f: {  	_ =	shalt  }
0x80: {  	_ =	shalt  }
0x81: {  	_ =	shalt  }
0x82: {  	_ =	shalt  }
0x83: {  	_ =	shalt  }
0x84: {  	_ =	shalt  }
0x85: {  	_ =	shalt  }
0x86: {  	_ =	shalt  }
0x87: {  	_ =	shalt  }
.Lfunc_end0:
.L_simem_size_0:
called_computation_lowered:
.L_overlay_start_0:
0x88: {  	s2 =	sld [smem:$0x3FD9]  }
0x89: {  	s3 =	sld [smem:$0x3FFE];
	_ =	sdelay $0x1  }
0x8a: {  	s1 =	srdreg.scid  }
0x8b: {  	s0 =	sand.u32 $0x1, s1  }
0x8c: {  	s17 =	sshll.u32 s0, $0xA;
	s2 =	sadd.s32 s3, s2  }
0x8d: {  	s2 =	sadd.s32 s2, s17  }
0x8e: {  	[smem:$0x3FC5] =	sst s2  }
0x8f: {  	_ = 	snop  }
0x90: {  	s2 =	sld [smem:$0x3FC9]  }
0x91: {  	s18 =	sld [smem:$0x3FC8]  }
0x92: {  	s4 =	sld [smem:$0x3FC7];
	(tm) =	ssettm $0x1  }
0x93: {  	s5 =	sld [smem:$0x3FFB];
	_ =	sdelay $0x3  }
0x94: {  	_ =	strace s5  }
0x95: {  	s5 =	sld [smem:$0x3FFC];
	_ =	sdelay $0x3  }
0x96: {  	_ =	strace s5  }
0x97: {  	s5 =	sld [smem:$0x3FFD];
	_ =	sdelay $0x3  }
0x98: {  	_ =	strace s5  }
0x99: {  	_ =	strace $0x8FFFFFFF  }
0x9a: {  	s19 =	sld [smem:$0x3FDB];
	_ =	sdelay $0x1  }
0x9b: {  	s6 =	simm.s32 $_scs_section_size  }
0x9c: {  	s7 =	simm.s32 $_size__tile_overlayer_lowered;
	s8 =	simm.s32 $_tile_overlayer_lowered  }
0x9d: {  	s22 =	simm.s32 $0x1BFF;
	s21 =	sshll.u32 s8, $0x1;
	s5 =	sadd.s32 s6, s19  }
0x9e: {  	s9 =	simm.s32 $0x0;
	s20 =	sshll.u32 s7, $0x1;
	s7 =	sadd.s32 s21, s5  }
0x9f: {  	[timem:s9], [sflag:s22] =	dma.local [hbm:s7], s20  }
0xa0: {  	_ =	swait.ge [sflag:s22], s20  }
0xa1: {  	s6 =	ssub.s32 $0x0, s20;
	[sflag:s22] =	ssyncset.done $0x0  }
0xa2: {  	[sflag:s22] =	ssyncadd.s32 s6;
	_ =	sdelay $0x1  }
0xa3: {  	s23 =	simm.s32 $0x1B8B  }
0xa4: {  	_ =	swait.ge [sflag:s23], $0x1  }
0xa5: {  	[sflag:s23] =	ssyncset.done $0x0  }
0xa6: {  	s25 =	simm.s32 $0x1B8E;
	s24 =	sld [smem:$0x3FFE];
	[sflag:s23] =	ssyncadd.s32 $0xFFFFFFFF  }
0xa7: {  	s26 =	simm.s32 $execute0_lowered;
	[smem:$0x3FD2] =	sst s25  }
0xa8: {  	s7 =	sshll.u32 s26, $0x1;
	_ =	strace $0x80000046;
	[dreg:$0x1] =	wrdreg $0xFFFFFFFF  }
0xa9: {  	s28 =	simm.s32 $_size_execute0_lowered;
	s5 =	sadd.s32 s5, s7;
	[dreg:$0x0] =	wrdreg $0x0  }
0xaa: {  	s7 =	sshll.u32 s28, $0x1;
	[dreg:$0x2] =	wrdreg s5  }
0xab: {  	[dreg:$0x3] =	wrdreg s7  }
0xac: {  	[dreg:$0x4] =	wrdreg $0xC0  }
0xad: {  	_ =	task [dreg:s9], $0x5FFFF  }
0xae: {  	[dreg:$0x1] =	wrdreg $0xFFFFFFFF  }
0xaf: {  	[dreg:$0x0] =	wrdreg $0x60  }
0xb0: {  	[dreg:$0x2] =	wrdreg s2  }
0xb1: {  	[dreg:$0x3] =	wrdreg s18  }
0xb2: {  	[dreg:$0x4] =	wrdreg s4  }
0xb3: {  	[dreg:$0x5] =	wrdreg s24  }
0xb4: {  	[dreg:$0x6] =	wrdreg $0x9  }
0xb5: {  	_ =	task.clear_ibuf [dreg:s9], $0x7FFFF;
	_ =	strace $0x90000046  }
0xb6: {  	s29 =	simm.s32 $0x9;
	_ =	strace $0x80000048  }
0xb7: {  	_ =	swait.ge [sflag:s29], $0x1  }
0xb8: {  	[sflag:s29] =	ssyncadd.s32 $0xFFFFFFFF  }
0xb9: {  	_ =	strace $0x90000048  }
0xba: {  	_ =	sfence  }
0xbb: {  	s30 =	sld [smem:$0x0];
	_ =	sdelay $0x2  }
0xbc: {  	s31 =	sshll.u32 s1, $0xD;
	s1 =	sshrl.u32 s1, $0x2  }
0xbd: {  	s3 =	sand.u32 $0x4000, s31;
	s1 =	sadd.s32 s1, s30  }
0xbe: {  	s0 =	sor.u32 s3, s0;
	s1 =	sshll.u32 s1, $0x11  }
0xbf: {  	s0 =	sor.u32 s1, s0  }
0xc0: {  	s0 =	sadd.s32 $0x8F2B, s0  }
0xc1: {  	[sflag:s0] =	ssyncadd.remote.s32 $0x1  }
0xc2: {  	_ =	sfence.sel $0xFFFF  }
0xc3: {  	[dreg:$0x0] =	wrdreg $0xFFFFFFFF;
	(pc) =	sbr.abs _section_cstart, $3  }
0xc4: {  	[dreg:$0x1] =	wrdreg $0xFFFFFFFF  }
0xc5: {  	_ =	task.clear_ibuf [dreg:s9], $0x2FFFF;
	_ =	strace $0x9FFFFFFF  }
0xc6: {  	(tm) =	ssettm $0x7FFFFFFF  }
0xc7: {  	_ =	shalt  }
tec
execute0_lowered:
.L_overlay_start_1:
0x0: {  	(tag) =	ssettag $0x1  }
0x1: {  	s4 =	rddreg [dreg:$0x1]  }
0x2: {  	s1 =	srdreg.scid;
	s9 =	rddreg [dreg:$0x2]  }
0x3: {  	s0 =	stileid.u32;
	s10 =	rddreg [dreg:$0x3]  }
0x4: {  	s5 =	simm.s32 $0x1;
	s3 =	simm.s32 $0x0;
	s16 =	simm.s32 $0x2  }
0x5: {  	s17 =	simm.s32 $0xC400;
	s7 =	sand.u32 $0x1, s1;
	s2 =	sshll.u32 s0, $0x1  }
0x6: {  	s18 =	simm.s32 $0x0;
	s1 =	rddreg [dreg:$0x0];
	s8 =	sor.u32 s7, s2  }
0x7: {  	[smem:$0x7FF] =	sst s3;
	p1 =	seq.s32 s7, $0x1;
	p0 =	seq.s32 s8, $0x0  }
0x8: {  	s2 =	rddreg [dreg:$0x4];
	s6 =	ssub.s32 $0x2, s7;
	p0 =	por !p0, !p1  }
0x9: {  	_ =	strace $0x80000047;
	s13 =	sshll.u32 s7, $0xE;
	p0 =	por !p0, !p0  }
0xa: {  	s30 =	sshll.u32 s7, $0x13;
	s28 =	sshrl.u32 s6, $0x1;
	s5 =	simm.s32 @!p0 $0x0  }
0xb: {  	s31 =	sshll.u32 s8, $0x4;
	s15 =	ssub.s32 s6, s28;
	s11 =	ssub.s32 s0, s5  }
0xc: {  	s5 =	simm.s32 $0x1;
	s12 =	sshll.u32 s11, $0x7;
	s14 =	sshll.u32 s11, $0xF  }
0xd: {  	s11 =	sshll.u32 s11, $0x14;
	s12 =	sand.u32 $0x1FFFFF80, s12;
	s29 =	sor.u32 s13, s14  }
0xe: {  	s8 =	sor.u32 s30, s11;
	s11 =	simm.s32 $0x80;
	s13 =	simm.s32 $0x3  }
0xf: {  	s14 =	simm.s32 $0x200;
	s4 =	sadd.s32 s4, s12;
	s12 =	sshrl.u32 s29, $0x3  }
0x10: {  	s6 =	sadd.s32 $0x10, s4;
	s7 =	sadd.s32 s9, s12;
	s9 =	sadd.s32 s10, s31  }
0x11: {  	s10 =	smax.u32 s15, $0x1;
	s12 =	simm.s32 $0x100;
	s15 =	simm.s32 $0x8400  }
.LBB2_1:
0x12: {  	[tilespmem:s3], [sflag:$0x3] =	stream.strided.gather [hbm4b:s4+s11], $0x200, s12, s11, $0x38;
	[tilespmem:$0xC480] =	vst v63  }
0x13: {  	_ =	swait.ge [sflag:s13], $0x200  }
0x14: {  	[sflag:s13] =	ssyncset.done $0x0  }
0x15: {  	[sflag:s13] =	ssyncadd.s32 $0xFFFFFE00  }
0x16: {  	[tilespmem:s14], [sflag:$0x3] =	stream.strided.gather [hbm4b:s6+s11], $0x200, s12, s11, $0x38;
	[tilespmem:$0xC480] =	vst v63  }
0x17: {  	_ =	swait.ge [sflag:s13], $0x200  }
0x18: {  	[sflag:s13] =	ssyncset.done $0x0  }
0x19: {  	s19 =	simm.s32 $0x0;
	[sflag:s13] =	ssyncadd.s32 $0xFFFFFE00  }
0x1a: {  	[tilespmem:s15], [sflag:$0x2] =	stream.linear.gather [hbm4b:s7+s3], $0x4000, $0x38;
	[tilespmem:$0xC480] =	vst v63  }
.LBB2_2:
0x1b: {  	s20 =	sshll.u32 s19, $0xE  }
0x1c: {  	s22 =	simm.s32 $0x0;
	s21 =	sadd.s32 s8, s20;
	s20 =	sshll.u32 s19, $0x9  }
0x1d: {  	s23 =	simm.s32 $0x10;
	s24 =	simm.s32 $0x0;
	v1 =	vld [tilespmem:s22+$0x0];
	v0 =	vmov s21;
	s21 =	sadd.s32 $0x400, s20  }
.LBB2_3:
0x1e: {  	p0 =	sne.s32 s23, $0x1F0;
	_ =	sdelay $0x3  }
0x1f: {  	v1 =	vtrunc.f32 v1  }
.Ltmp0:
0x20: {  	s25 =	sand.u32 $0x180, s22;
	v1 =	vcvt.f32.s32 v1;
	(pc) =	sbr.rel @p0 .LBB2_3-.Ltmp0, $4  }
0x21: {  	s26 =	sand.u32 $0x70, s22;
	s22 =	smov.u32 s23;
	s25 =	sadd.s32 s25, s21  }
0x22: {  	s25 =	sadd.s32 s26, s25;
	v1 =	vadd.s32 v1, v0  }
0x23: {  	s24 =	sadd.s32 $0x10, s24;
	[tilespmem:s25+$0x0] =	vst v1  }
0x24: {  	s23 =	sadd.s32 $0x10, s23;
	v1 =	vld [tilespmem:s24+$0x0]  }
0x25: {  	_ =	sdelay $0x3  }
0x26: {  	v1 =	vtrunc.f32 v1  }
0x27: {  	s23 =	sand.u32 $0x180, s22;
	v1 =	vcvt.f32.s32 v1  }
0x28: {  	s31 =	sand.u32 $0x70, s22;
	s23 =	sadd.s32 s23, s21  }
0x29: {  	s22 =	sadd.s32 s31, s23;
	v0 =	vadd.s32 v1, v0  }
0x2a: {  	s24 =	sadd.s32 $0x4400, s20;
	s19 =	sadd.s32 $0x1, s19;
	[tilespmem:s22+$0x0] =	vst v0  }
0x2b: {  	[tilespmem:s24], [sflag:$0x1] =	stream.indirect.gather [hbm4b:s1+s11], $0x1, s21, s11, $0xb8;
	[tilespmem:$0xC480] =	vst v63  }
0x2c: {  	s25 =	sadd.s32 $0x4480, s20;
	s26 =	sadd.s32 $0x480, s20;
	p0 =	sne.s32 s19, $0x20  }
0x2d: {  	[tilespmem:s25], [sflag:$0x1] =	stream.indirect.gather [hbm4b:s1+s11], $0x1, s26, s11, $0xb8;
	[tilespmem:$0xC480] =	vst v63  }
.Ltmp1:
0x2e: {  	_ = 	snop;
	(pc) =	sbr.rel @p0 .LBB2_2-.Ltmp1, $4  }
0x2f: {  	s28 =	sadd.s32 $0x4500, s20;
	s29 =	sadd.s32 $0x500, s20  }
0x30: {  	[tilespmem:s28], [sflag:$0x1] =	stream.indirect.gather [hbm4b:s1+s11], $0x1, s29, s11, $0xb8;
	[tilespmem:$0xC480] =	vst v63  }
0x31: {  	s30 =	sadd.s32 $0x4580, s20;
	s31 =	sadd.s32 $0x580, s20  }
0x32: {  	[tilespmem:s30], [sflag:$0x1] =	stream.indirect.gather [hbm4b:s1+s11], $0x1, s31, s11, $0xb8;
	[tilespmem:$0xC480] =	vst v63  }
0x33: {  	_ =	swait.ge [sflag:s16], $0x4000  }
0x34: {  	[sflag:s16] =	ssyncset.done $0x0  }
0x35: {  	s20 =	simm.s32 $0x0;
	[sflag:s16] =	ssyncadd.s32 $0xFFFFC000  }
0x36: {  	s19 =	simm.s32 $0x4440;
	s31 =	simm.s32 $0x0;
	_ =	swait.ge [sflag:s5], $0x80  }
0x37: {  	s23 =	simm.s32 $0x0;
	s21 =	sand.u32 $0x18, s20;
	[sflag:s5] =	ssyncset.done $0x0  }
0x38: {  	s20 =	sand.u32 $0x3000, s31;
	s22 =	sshll.u32 s21, $0x7;
	[sflag:s5] =	ssyncadd.s32 $0xFFFFFF80  }
0x39: {  	s23 =	sand.u32 $0x380, s23;
	s20 =	sor.u32 s22, s20;
	v0 =	vld [tilespmem:s19+$0x20]  }
0x3a: {  	s22 =	sor.u32 s23, s20;
	v4 =	vld [tilespmem:s19+$0x10]  }
0x3b: {  	v17 =	vld [tilespmem:s22+$0x8400]  }
0x3c: {  	v7 =	vld [tilespmem:s22+$0x8460]  }
0x3d: {  	v11 =	vld [tilespmem:s22+$0x8450]  }
0x3e: {  	v2 =	vld [tilespmem:s19+$0x0]  }
0x3f: {  	s20 =	sshll.u32 s21, $0x4;
	v14 =	vld [tilespmem:s19+$0x30]  }
0x40: {  	v3 =	vld [tilespmem:s20+$0x240]  }
0x41: {  	v13 =	vld [tilespmem:s20+$0x250]  }
0x42: {  	v1 =	vld [tilespmem:s20+$0x270]  }
0x43: {  	v8 =	vld [tilespmem:s19+$0xFFFFFFD0]  }
0x44: {  	v9 =	vld [tilespmem:s22+$0x8410]  }
0x45: {  	v5 =	vld [tilespmem:s20+$0x230]  }
0x46: {  	p1 =	seq.s32 s21, $0x18;
	s23 =	simm.s32 $0x0;
	v21 =	vld [tilespmem:s19+$0xFFFFFFF0]  }
0x47: {  	vm0 =	vcmask @p1 $0x300;
	v18 =	vimm.s32 @p1 $0xC73;
	v10 =	vmov @p1 s23;
	v15 =	vld [tilespmem:s19+$0xFFFFFFC0]  }
0x48: {  	v18 =	vsel @p1 vm0, $0xC70, v18;
	v12 =	vld [tilespmem:s19+$0xFFFFFFE0];
	v16 =	vshll.u32 @p1 v10, $0x9  }
0x49: {  	p0 =	por p1, p1;
	vm0 =	vcmask @p1 $0x704;
	v22 =	vld [tilespmem:s20+$0x200];
	v19 =	vand.u32 @p1 $0x3000, v16;
	v16 =	vshll.u32 @p1 v10, $0x7  }
0x4a: {  	v18 =	vsel @p1 vm0, $0xC71, v18;
	vm0 =	vcmask @p1 $0xB08;
	v10 =	vld [tilespmem:s22+$0x8430];
	v20 =	vand.u32 @p0 $0x380, v16  }
0x4b: {  	v18 =	vsel @p0 vm0, $0xC72, v18;
	v16 =	vld [tilespmem:s22+$0x8420];
	v20 =	vor.u32 @p0 v20, v19  }
0x4c: {  	v19 =	vld [tilespmem:s22+$0x8440];
	v18 =	vor.u32 @p0 v18, v20  }
0x4d: {  	s19 =	sadd.s32 $0x8400, s22;
	v4 =	vmul.f32 v13, v4;
	v13 =	vmul.f32 v11, v13;
	v11 =	vld [tilespmem:s20+$0x260]  }
0x4e: {  	v6 =	vimm.f32 $0.0e+00;
	s21 =	simm.s32 $0x2;
	s26 =	simm.s32 @p0 $0x8400;
	v20 =	vmul.f32 v22, v15;
	v15 =	vld @!p0 [tilespmem:s19+$0x70]  }
0x4f: {  	s23 =	simm.s32 $0x8;
	s22 =	simm.s32 $0x1;
	s19 =	simm.s32 $0x44C0;
	v4 =	vsub.f32 v4, v13;
	v13 =	vmul.f32 v5, v21;
	v21 =	vmul.f32 v17, v22;
	v17 =	vld [tilespmem:s20+$0x220]  }
.LBB2_6:
0x50: {  	s24 =	sand.u32 $0x18, s23  }
0x51: {  	s25 =	sshll.u32 s22, $0x7;
	v18 =	vld.idx.msk @p0 [tilespmem:v18+s26+$0x0], $0xffff;
	v22 =	vmul.f32 v1, v14;
	s26 =	smov.u32 s21;
	s21 =	sadd.s32 $0x1, s21  }
0x52: {  	s28 =	sshrl.u32 s22, $0x2;
	s29 =	sshll.u32 s24, $0x7;
	p2 =	seq.s32 s24, $0x18;
	v14 =	vsub.f32 v20, v21;
	v20 =	vld [tilespmem:s20+$0x210];
	v19 =	vmul.f32 v19, v3  }
0x53: {  	s22 =	sshll.u32 s22, $0x5;
	s20 =	sand.u32 $0x3000, s25;
	_ =	swait.ge [sflag:s5], $0x80;
	v21 =	vmov @p2 s28;
	vm0 =	vcmask @p2 $0x300;
	v23 =	vmul.f32 v7, v11  }
0x54: {  	s22 =	sand.u32 $0x380, s22;
	s20 =	sor.u32 s29, s20;
	v24 =	vimm.s32 @p2 $0xC73;
	[sflag:s5] =	ssyncset.done $0x0;
	v7 =	vshll.u32 @p2 v21, $0x9;
	v25 =	vand.u32 $0x7FFFFFFF, v14  }
0x55: {  	s25 =	sor.u32 s22, s20;
	s20 =	sshll.u32 s24, $0x4;
	[sflag:s5] =	ssyncadd.s32 $0xFFFFFF80;
	v14 =	vand.u32 @p2 $0x3000, v7;
	v7 =	vshll.u32 @p2 v21, $0x7;
	v16 =	vmul.f32 v16, v17  }
0x56: {  	p1 =	seq.s32 s21, $0x80;
	v24 =	vsel @p2 vm0, $0xC70, v24;
	vm0 =	vcmask @p2 $0x704;
	s22 =	smov.u32 s26;
	s24 =	sadd.s32 $0x8400, s25;
	v21 =	vld [tilespmem:s19+$0x20]  }
0x57: {  	v24 =	vsel @p2 vm0, $0xC71, v24;
	vm0 =	vcmask @p2 $0xB08;
	v15 =	vpsel p0, v18, v15;
	p0 =	por p2, p2;
	v26 =	vld [tilespmem:s19+$0x10]  }
0x58: {  	v18 =	vsel @p0 vm0, $0xC72, v24;
	v24 =	vand.u32 @p0 $0x380, v7;
	v8 =	vmul.f32 v20, v8;
	v27 =	vld [tilespmem:s25+$0x8400]  }
0x59: {  	v12 =	vmul.f32 v17, v12;
	v9 =	vmul.f32 v9, v20;
	v14 =	vor.u32 @p0 v24, v14;
	v7 =	vld [tilespmem:s25+$0x8460]  }
0x5a: {  	v11 =	vmul.f32 v11, v0;
	v18 =	vor.u32 @p0 v18, v14;
	v17 =	vld [tilespmem:s25+$0x8450]  }
0x5b: {  	v1 =	vmul.f32 v15, v1;
	v8 =	vsub.f32 v8, v9;
	v9 =	vsub.f32 v12, v16;
	v20 =	vld [tilespmem:s19+$0x0];
	v0 =	vmovc v21  }
0x5c: {  	v5 =	vmul.f32 v10, v5;
	v6 =	vadd.f32 v25, v6;
	v11 =	vsub.f32 v11, v23;
	v14 =	vld [tilespmem:s19+$0x30]  }
0x5d: {  	s26 =	simm.s32 @p0 $0x8400;
	v15 =	vsub.f32 v22, v1;
	v8 =	vand.u32 $0x7FFFFFFF, v8;
	v9 =	vand.u32 $0x7FFFFFFF, v9;
	v10 =	vld [tilespmem:s20+$0x240]  }
0x5e: {  	v6 =	vadd.f32 v8, v6;
	v12 =	vld [tilespmem:s20+$0x250]  }
0x5f: {  	v5 =	vsub.f32 v13, v5;
	v21 =	vmul.f32 v3, v2;
	v1 =	vld [tilespmem:s20+$0x270]  }
0x60: {  	v6 =	vadd.f32 v9, v6;
	v8 =	vld [tilespmem:s19+$0xFFFFFFD0];
	v2 =	vmov v20  }
0x61: {  	v13 =	vand.u32 $0x7FFFFFFF, v5;
	v16 =	vsub.f32 v21, v19;
	v9 =	vld [tilespmem:s25+$0x8410]  }
0x62: {  	v6 =	vadd.f32 v13, v6;
	v5 =	vld [tilespmem:s20+$0x230];
	v3 =	vmov v10  }
0x63: {  	v13 =	vld [tilespmem:s19+$0xFFFFFFF0];
	v10 =	vmul.f32 v12, v26;
	v17 =	vmul.f32 v17, v12;
	v12 =	vand.u32 $0x7FFFFFFF, v16  }
0x64: {  	v20 =	vld [tilespmem:s19+$0xFFFFFFC0];
	v6 =	vadd.f32 v12, v6  }
0x65: {  	v16 =	vand.u32 $0x7FFFFFFF, v4;
	v12 =	vld [tilespmem:s19+$0xFFFFFFE0];
	v4 =	vsub.f32 v10, v17  }
0x66: {  	v17 =	vld [tilespmem:s20+$0x200];
	v6 =	vadd.f32 v16, v6  }
0x67: {  	v11 =	vand.u32 $0x7FFFFFFF, v11;
	v10 =	vld [tilespmem:s25+$0x8430]  }
.Ltmp2:
0x68: {  	v16 =	vld [tilespmem:s25+$0x8420];
	v6 =	vadd.f32 v11, v6;
	(pc) =	sbr.rel @!p1 .LBB2_6-.Ltmp2, $4  }
0x69: {  	v15 =	vand.u32 $0x7FFFFFFF, v15;
	v19 =	vld [tilespmem:s25+$0x8440]  }
0x6a: {  	v11 =	vld [tilespmem:s20+$0x260];
	v6 =	vadd.f32 v15, v6  }
0x6b: {  	v13 =	vmul.f32 v5, v13;
	v20 =	vmul.f32 v17, v20;
	v15 =	vld @!p0 [tilespmem:s24+$0x70]  }
0x6c: {  	s23 =	sadd.s32 $0x8, s23;
	s19 =	sadd.s32 $0x80, s19;
	v21 =	vmul.f32 v27, v17;
	v17 =	vld [tilespmem:s20+$0x220]  }
0x6d: {  	_ = 	snop  }
0x6e: {  	v22 =	vld [tilespmem:s20+$0x210];
	_ =	sdelay $0x2  }
0x6f: {  	v18 =	vld.idx.msk @p0 [tilespmem:v18+s26+$0x0], $0xffff;
	_ =	swait.ge [sflag:s5], $0x80  }
0x70: {  	[sflag:s5] =	ssyncset.done $0x0;
	v20 =	vsub.f32 v20, v21  }
0x71: {  	[sflag:s5] =	ssyncadd.s32 $0xFFFFFF80;
	v8 =	vmul.f32 v22, v8;
	v9 =	vmul.f32 v9, v22  }
0x72: {  	s21 =	sand.u32 $0x18, s23;
	v38 =	vld [tilespmem:s19+$0x10];
	v20 =	vand.u32 $0x7FFFFFFF, v20  }
0x73: {  	s23 =	sshll.u32 s21, $0x7;
	p1 =	seq.s32 s21, $0x18;
	s21 =	sshll.u32 s21, $0x4;
	v40 =	vld [tilespmem:s19+$0x0];
	v16 =	vmul.f32 v16, v17;
	v12 =	vmul.f32 v17, v12;
	v8 =	vsub.f32 v8, v9  }
0x74: {  	v14 =	vmul.f32 v1, v14;
	v41 =	vld [tilespmem:s21+$0x240];
	v6 =	vadd.f32 v20, v6  }
0x75: {  	v5 =	vmul.f32 v10, v5;
	v42 =	vld [tilespmem:s19+$0xFFFFFFD0];
	v12 =	vsub.f32 v12, v16;
	v8 =	vand.u32 $0x7FFFFFFF, v8  }
0x76: {  	s31 =	sshll.u32 s22, $0x7;
	v2 =	vmul.f32 v3, v2;
	v4 =	vand.u32 $0x7FFFFFFF, v4;
	v44 =	vld [tilespmem:s19+$0xFFFFFFC0];
	v6 =	vadd.f32 v8, v6  }
0x77: {  	s24 =	sshll.u32 s22, $0x5;
	s20 =	sand.u32 $0x3000, s31;
	v19 =	vmul.f32 v19, v3;
	v5 =	vsub.f32 v13, v5;
	v45 =	vld [tilespmem:s21+$0x200];
	v12 =	vand.u32 $0x7FFFFFFF, v12  }
0x78: {  	s24 =	sand.u32 $0x380, s24;
	s20 =	sor.u32 s23, s20;
	v7 =	vmul.f32 v7, v11;
	v0 =	vmul.f32 v11, v0;
	v46 =	vld [tilespmem:s21+$0x230];
	v6 =	vadd.f32 v12, v6  }
0x79: {  	vm0 =	vcmask @p1 $0x300;
	s20 =	sor.u32 s24, s20;
	v2 =	vsub.f32 v2, v19;
	v49 =	vld [tilespmem:s21+$0x210];
	v5 =	vand.u32 $0x7FFFFFFF, v5  }
0x7a: {  	s22 =	sshrl.u32 s22, $0x2;
	v24 =	vld [tilespmem:s20+$0x8400];
	v20 =	vimm.s32 @p1 $0xC73;
	v0 =	vsub.f32 v0, v7;
	v5 =	vadd.f32 v5, v6  }
0x7b: {  	v43 =	vld [tilespmem:s20+$0x8410];
	v22 =	vmov @p1 s22;
	v2 =	vand.u32 $0x7FFFFFFF, v2;
	v48 =	vpsel p0, v18, v15  }
0x7c: {  	v54 =	vld [tilespmem:s21+$0x220];
	v16 =	vshll.u32 @p1 v22, $0x9;
	v50 =	vmul.f32 v48, v1;
	v2 =	vadd.f32 v2, v5  }
0x7d: {  	v51 =	vld [tilespmem:s20+$0x8420];
	v0 =	vand.u32 $0x7FFFFFFF, v0;
	v13 =	vand.u32 @p1 $0x3000, v16;
	v16 =	vsel @p1 vm0, $0xC70, v20  }
0x7e: {  	v47 =	vld [tilespmem:s19+$0xFFFFFFE0];
	vm0 =	vcmask @p1 $0x704;
	v20 =	vshll.u32 @p1 v22, $0x7;
	v2 =	vadd.f32 v4, v2  }
0x7f: {  	v55 =	vld [tilespmem:s19+$0xFFFFFFF0];
	v52 =	vmul.f32 v45, v44;
	v1 =	vsub.f32 v14, v50;
	v53 =	vmul.f32 v24, v45  }
0x80: {  	v56 =	vld [tilespmem:s20+$0x8430];
	v16 =	vsel @p1 vm0, $0xC71, v16;
	v3 =	vmul.f32 v43, v49;
	v0 =	vadd.f32 v0, v2  }
0x81: {  	v61 =	vld [tilespmem:s21+$0x250];
	v1 =	vand.u32 $0x7FFFFFFF, v1;
	v8 =	vmul.f32 v49, v42;
	v57 =	vsub.f32 v52, v53  }
0x82: {  	v58 =	vld [tilespmem:s20+$0x8440];
	vm0 =	vcmask @p1 $0xB08;
	v7 =	vmul.f32 v51, v54;
	v0 =	vadd.f32 v1, v0  }
0x83: {  	v25 =	vld [tilespmem:s20+$0x8460];
	p1 =	por p1, p1;
	v3 =	vsub.f32 v8, v3;
	v60 =	vand.u32 $0x7FFFFFFF, v57;
	v6 =	vmul.f32 v54, v47  }
0x84: {  	v39 =	vld [tilespmem:s20+$0x8450];
	v63 =	vmul.f32 v46, v55;
	v15 =	vsel @p1 vm0, $0xC72, v16;
	v0 =	vadd.f32 v60, v0  }
0x85: {  	v18 =	vld [tilespmem:s21+$0x260];
	v19 =	vmul.f32 v56, v46;
	v3 =	vand.u32 $0x7FFFFFFF, v3;
	v6 =	vsub.f32 v6, v7  }
0x86: {  	v23 =	vld [tilespmem:s19+$0x20];
	v16 =	vand.u32 @p1 $0x380, v20;
	v24 =	vmul.f32 v41, v40;
	v0 =	vadd.f32 v3, v0  }
0x87: {  	v22 =	vsub.f32 v63, v19;
	v4 =	vmul.f32 v58, v41;
	v20 =	vand.u32 $0x7FFFFFFF, v6  }
0x88: {  	v26 =	vmul.f32 v61, v38;
	v0 =	vadd.f32 v20, v0  }
0x89: {  	v27 =	vand.u32 $0x7FFFFFFF, v22;
	v2 =	vmul.f32 v39, v61;
	v4 =	vsub.f32 v24, v4  }
0x8a: {  	v28 =	vmul.f32 v25, v18;
	v0 =	vadd.f32 v27, v0  }
0x8b: {  	v32 =	vld [tilespmem:$0x200];
	v2 =	vsub.f32 v26, v2;
	v1 =	vmul.f32 v18, v23;
	v4 =	vand.u32 $0x7FFFFFFF, v4  }
0x8c: {  	v0 =	vadd.f32 v4, v0  }
0x8d: {  	v33 =	vld [tilespmem:$0x210];
	v1 =	vsub.f32 v1, v28;
	v2 =	vand.u32 $0x7FFFFFFF, v2  }
0x8e: {  	v0 =	vadd.f32 v2, v0  }
0x8f: {  	v34 =	vld [tilespmem:$0x220];
	v1 =	vand.u32 $0x7FFFFFFF, v1  }
0x90: {  	v0 =	vadd.f32 v1, v0;
	v1 =	vadd.f32 $0.0e+00, v32  }
0x91: {  	v35 =	vld [tilespmem:$0x230]  }
0x92: {  	v1 =	vadd.f32 v33, v1  }
0x93: {  	v36 =	vld [tilespmem:$0x240]  }
0x94: {  	v1 =	vadd.f32 v34, v1  }
0x95: {  	v37 =	vld [tilespmem:$0x250]  }
0x96: {  	v1 =	vadd.f32 v35, v1  }
0x97: {  	v38 =	vld [tilespmem:$0x260]  }
0x98: {  	v1 =	vadd.f32 v36, v1  }
0x99: {  	v39 =	vld [tilespmem:$0x270]  }
0x9a: {  	v1 =	vadd.f32 v37, v1  }
0x9b: {  	v40 =	vld [tilespmem:$0x280]  }
0x9c: {  	v1 =	vadd.f32 v38, v1  }
0x9d: {  	v41 =	vld [tilespmem:$0x290]  }
0x9e: {  	v1 =	vadd.f32 v39, v1  }
0x9f: {  	v42 =	vld [tilespmem:$0x2A0]  }
0xa0: {  	v1 =	vadd.f32 v40, v1  }
0xa1: {  	v43 =	vld [tilespmem:$0x2B0]  }
0xa2: {  	v1 =	vadd.f32 v41, v1  }
0xa3: {  	v44 =	vld [tilespmem:$0x2C0]  }
0xa4: {  	v1 =	vadd.f32 v42, v1  }
0xa5: {  	v45 =	vld [tilespmem:$0x2D0]  }
0xa6: {  	v1 =	vadd.f32 v43, v1  }
0xa7: {  	v46 =	vld [tilespmem:$0x2E0]  }
0xa8: {  	v1 =	vadd.f32 v44, v1  }
0xa9: {  	v47 =	vld [tilespmem:$0x2F0]  }
0xaa: {  	v1 =	vadd.f32 v45, v1  }
0xab: {  	v48 =	vld [tilespmem:$0x300]  }
0xac: {  	v1 =	vadd.f32 v46, v1  }
0xad: {  	v49 =	vld [tilespmem:$0x310]  }
0xae: {  	v1 =	vadd.f32 v47, v1  }
0xaf: {  	v50 =	vld [tilespmem:$0x320]  }
0xb0: {  	v1 =	vadd.f32 v48, v1  }
0xb1: {  	v51 =	vld [tilespmem:$0x330]  }
0xb2: {  	v1 =	vadd.f32 v49, v1  }
0xb3: {  	v52 =	vld [tilespmem:$0x340]  }
0xb4: {  	v1 =	vadd.f32 v50, v1  }
0xb5: {  	v53 =	vld [tilespmem:$0x350]  }
0xb6: {  	v59 =	vld [tilespmem:s19+$0x30];
	v1 =	vadd.f32 v51, v1  }
0xb7: {  	v54 =	vld [tilespmem:$0x360]  }
0xb8: {  	v62 =	vld [tilespmem:s21+$0x270];
	v1 =	vadd.f32 v52, v1  }
0xb9: {  	v55 =	vld [tilespmem:$0x370]  }
0xba: {  	v1 =	vadd.f32 v53, v1  }
0xbb: {  	v56 =	vld [tilespmem:$0x380];
	v13 =	vor.u32 @p1 v16, v13  }
0xbc: {  	v5 =	vor.u32 @p1 v15, v13;
	v1 =	vadd.f32 v54, v1  }
0xbd: {  	v57 =	vld [tilespmem:$0x390]  }
0xbe: {  	v29 =	vmul.f32 v62, v59;
	v59 =	vld [tilespmem:$0x3B0];
	v1 =	vadd.f32 v55, v1  }
0xbf: {  	s19 =	sadd.s32 $0x8400, s20;
	v58 =	vld [tilespmem:$0x3A0]  }
0xc0: {  	s20 =	simm.s32 @p1 $0x8400;
	v13 =	vld @!p1 [tilespmem:s19+$0x70];
	v1 =	vadd.f32 v56, v1  }
0xc1: {  	v3 =	vld.idx.msk @p1 [tilespmem:v5+s20+$0x0], $0xffff  }
0xc2: {  	v1 =	vadd.f32 v57, v1  }
0xc3: {  	v60 =	vld [tilespmem:$0x3C0]  }
0xc4: {  	v1 =	vadd.f32 v58, v1  }
0xc5: {  	v61 =	vld [tilespmem:$0x3D0]  }
0xc6: {  	v3 =	vpsel p1, v3, v13;
	v1 =	vadd.f32 v59, v1  }
0xc7: {  	v3 =	vmul.f32 v3, v62;
	v62 =	vld [tilespmem:$0x3E0]  }
0xc8: {  	v1 =	vadd.f32 v60, v1  }
0xc9: {  	v63 =	vld [tilespmem:$0x3F0]  }
0xca: {  	v1 =	vadd.f32 v61, v1;
	_ =	sdelay $0x1  }
0xcb: {  	v30 =	vsub.f32 v29, v3;
	v1 =	vadd.f32 v62, v1;
	_ =	sdelay $0x1  }
0xcc: {  	v31 =	vand.u32 $0x7FFFFFFF, v30;
	v1 =	vadd.f32 v63, v1  }
0xcd: {  	v0 =	vadd.f32 v31, v0  }
0xce: {  	s18 =	sadd.s32 $0x1, s18;
	v1 =	vmul.f32 $3.200000000e+01, v1  }
0xcf: {  	p0 =	seq.s32 s18, s10;
	[tilespmem:$0xC400] =	vst v0  }
.Ltmp3:
0xd0: {  	[tilespmem:$0xC410] =	vst v1;
	(pc) =	sbr.rel @!p0 .LBB2_1-.Ltmp3, $4  }
0xd1: {  	[hbm4b:s9+s3] =	stream.linear.scatter [tilespmem:s17], [sflag:$0x3], $0x80, $0x38;
	[tilespmem:$0xC480] =	vst v63  }
0xd2: {  	_ =	swait.ge [sflag:s13], $0x80  }
0xd3: {  	[sflag:s13] =	ssyncset.done $0x0  }
0xd4: {  	[sflag:s13] =	ssyncadd.s32 $0xFFFFFF80  }
0xd5: {  	_ =	sfence.sel $0x180000  }
0xd6: {  	[bflag:$0x0] =	sbarrier.arrive $0xFFFF  }
0xd7: {  	p0 =	sne.s32 s0, $0x0;
	_ =	strace $0x90000047  }
0xd8: {  	s0 =	sadd.s32 @!p0 $0x100000, s2;
	[bflag:$0x2] =	sbarrier.arrive $0xFFFF  }
0xd9: {  	[sflag:s0] =	ssyncadd.tile.s32 @!p0 $0x1;
	_ =	shalt  }
.Lfunc_end2:
_tile_overlayer_lowered:
.L_overlay_start_2:
0xda: {  	(tag) =	ssettag $0x2  }
0xdb: {  	s0 =	rddreg [dreg:$0x0];
	s2 =	stileid.u32  }
0xdc: {  	s1 =	rddreg [dreg:$0x1];
	p0 =	sne.s32 s2, $0x0  }
0xdd: {  	s3 =	rddreg [dreg:$0x2];
	[bflag:$0x3] =	sbarrier.arrive $0xFFFF;
	s2 =	simm.s32 @!p0 $0x1C03  }
0xde: {  	[timem:s3], [sflag:s2] =	dma.local @!p0 [hbm:s0], s1  }
0xdf: {  	s0 =	simm.s32 @!p0 $0x3  }
0xe0: {  	_ =	swait.ge @!p0 [sflag:s0], s1  }
0xe1: {  	s1 =	ssub.s32 @!p0 $0x0, s1;
	[sflag:s0] =	ssyncset.done @!p0 $0x0  }
0xe2: {  	[sflag:s0] =	ssyncadd.s32 @!p0 s1  }
0xe3: {  	[bflag:$0x3] =	sbarrier.arrive $0xFFFF  }
0xe4: {  	_ =	shalt  }

</sc_bundles>
